<compile_context>
chip_gen: v7x
topology: tpu7x:2x2x1
jax: 0.10.2.dev20260603
libtpu: 0.0.44.dev20260713+nightly
codegen_flags: <defaults>
</compile_context>

<pallas_src>
import functools

import jax
import jax.numpy as jnp
from jax import lax
from jax.experimental import pallas as pl
from jax.experimental.pallas import tpu as pltpu
from jax.experimental.pallas import tpu_sc as plsc

_T_OUT = 8192
_T_IN = 4096
_BR = 512

_NS = 16
_PER_TILE = _T_OUT // _NS
_CHUNKS = _PER_TILE // 128
_SLICE = _T_IN // _NS


def _argmax_body(x_ref, out_ref):
    c_w = 128
    mval = x_ref[:, :c_w]
    midx = jnp.zeros((_BR, c_w), jnp.int32)
    for c in range(1, _T_IN // c_w):
        chunk = x_ref[:, pl.ds(c * c_w, c_w)]
        gt = chunk > mval
        mval = jnp.where(gt, chunk, mval)
        midx = jnp.where(gt, c, midx)
    rowmax = jnp.max(mval, axis=1, keepdims=True)
    lane = jax.lax.broadcasted_iota(jnp.int32, (_BR, c_w), 1)
    colcand = midx * c_w + lane
    first = jnp.min(jnp.where(mval == rowmax, colcand, _T_IN), axis=1)
    out_ref[...] = first.reshape(1, _BR // 128, 128)


def _tc_argmax(att_ws):
    return pl.pallas_call(
        _argmax_body,
        grid=(_T_OUT // _BR,),
        in_specs=[pl.BlockSpec((_BR, _T_IN), lambda i: (i, 0))],
        out_specs=pl.BlockSpec((1, _BR // 128, 128), lambda i: (i, 0, 0)),
        out_shape=jax.ShapeDtypeStruct(
            (_T_OUT // _BR, _BR // 128, 128), jnp.int32),
    )(att_ws)


def _sc_hist_body(idx_hbm, out_hbm, i0, i1, i2, i3, ones_v, zeros_v,
                  hist_sh, sem):
    sid = lax.axis_index("s")
    idx_vs = [i0, i1, i2, i3]
    copies = []
    for j in range(_CHUNKS):
        copies.append(
            pltpu.async_copy(idx_hbm.at[sid * _CHUNKS + j], idx_vs[j], sem))
    one = jnp.ones((16,), jnp.int32)
    zero = jnp.zeros((16,), jnp.int32)
    for k in range(128 // 16):
        ones_v[pl.ds(16 * k, 16)] = one
    for k in range(_SLICE // 16):
        zeros_v[pl.ds(16 * k, 16)] = zero
    pltpu.sync_copy(zeros_v, hist_sh.at[pl.ds(sid * _SLICE, _SLICE)])
    for c in copies:
        c.wait()
    plsc.subcore_barrier()
    adds = []
    for j in range(_CHUNKS):
        adds.append(
            pltpu.async_copy(ones_v, hist_sh.at[idx_vs[j]], sem, add=True))
    for a in adds:
        a.wait()
    plsc.subcore_barrier()
    pltpu.sync_copy(hist_sh.at[pl.ds(sid * _SLICE, _SLICE)],
                    out_hbm.at[pl.ds(sid * _SLICE, _SLICE)])


_sc_hist = functools.partial(
    pl.kernel,
    out_type=jax.ShapeDtypeStruct((_T_IN,), jnp.int32),
    mesh=plsc.VectorSubcoreMesh(core_axis_name="c", subcore_axis_name="s",
                                num_cores=1, num_subcores=_NS),
    scratch_types=[
        pltpu.VMEM((128,), jnp.int32),
        pltpu.VMEM((128,), jnp.int32),
        pltpu.VMEM((128,), jnp.int32),
        pltpu.VMEM((128,), jnp.int32),
        pltpu.VMEM((128,), jnp.int32),
        pltpu.VMEM((_SLICE,), jnp.int32),
        pltpu.VMEM_SHARED((_T_IN,), jnp.int32),
        pltpu.SemaphoreType.DMA,
    ],
)(_sc_hist_body)


def kernel(att_ws):
    idx = _tc_argmax(att_ws).reshape(_T_OUT // 128, 128)
    return _sc_hist(idx)

# --- scband reference (transcript-rebuilt; emitter-appended) ---
"""Pipeline reference for scband-duration-calculator-17179869586 (READ-ONLY COPY).

The authoritative reference and input builder live on the scoring server;
editing this copy changes nothing except your own understanding.
"""

import jax, jax.numpy as jnp
import numpy as np

REDUCTION_FACTOR = 1


def setup_inputs(seed: int = 0) -> dict:
    key = jax.random.key(seed)
    att_ws = jax.random.normal(key, (8192, 4096), dtype=jnp.float32)
    return {"att_ws": att_ws}


def reference(att_ws):
    # durations[i] = number of output frames whose argmax attention lands on input token i
    # (equivalent to torch.stack([att_ws.argmax(-1).eq(i).sum() for i in range(T_in)]))
    idx = jnp.argmax(att_ws, axis=-1)
    durations = jnp.bincount(idx, length=att_ws.shape[1])
    return durations.reshape(-1) * REDUCTION_FACTOR

if __name__ == "__main__":
    import jax
    _d = setup_inputs()
    print(jax.jit(kernel)(*tuple(_d.values())))

</pallas_src>

<mosaic_0001>
#map = affine_map<(d0, d1) -> (0, 0)>
#map1 = affine_map<(d0, d1) -> (0)>
module attributes {stable_mosaic.version = 14 : i64} {
  func.func @_sc_hist_body(%arg0: i32, %arg1: i32, %arg2: memref<64x128xi32, #tpu.memory_space<hbm>>, %arg3: memref<4096xi32, #tpu.memory_space<hbm>>, %arg4: memref<128xi32, #tpu.memory_space<vmem>>, %arg5: memref<128xi32, #tpu.memory_space<vmem>>, %arg6: memref<128xi32, #tpu.memory_space<vmem>>, %arg7: memref<128xi32, #tpu.memory_space<vmem>>, %arg8: memref<128xi32, #tpu.memory_space<vmem>>, %arg9: memref<256xi32, #tpu.memory_space<vmem>>, %arg10: memref<4096xi32, #tpu.memory_space<vmem_shared>>, %arg11: memref<!tpu.dma_semaphore, #tpu.memory_space<semaphore_mem>>) attributes {dimension_semantics = [#tpu.dimension_semantics<core_parallel>, #tpu.dimension_semantics<subcore_parallel>], iteration_bounds = array<i64: 1, 16>, scalar_prefetch = 0 : i64, scratch_operands = 8 : i64, tpu.core_type = #tpu.core_type<sc_vector_subcore>, window_params = [{transform_indices = #map}, {transform_indices = #map1}]} {
    %mul3A = arith.constant 4 : i32
    %mul3A_0 = arith.muli %arg1, %mul3A : i32
    %add3A = arith.constant 0 : i32
    %add3A_1 = arith.addi %mul3A_0, %add3A : i32
    %dma_start3A = arith.constant 0 : i32
    %dma_start3A_2 = tpu.memref_slice %arg2[%add3A_1, %dma_start3A] : memref<64x128xi32, #tpu.memory_space<hbm>> -> memref<1x128xi32, #tpu.memory_space<hbm>>
    %dma_start3A_3 = tpu.memref_squeeze %dma_start3A_2 : memref<1x128xi32, #tpu.memory_space<hbm>> -> memref<128xi32, #tpu.memory_space<hbm>>
    %dma_start3A_4 = arith.constant 0 : i32
    %dma_start3A_5 = tpu.memref_slice %arg2[%add3A_1, %dma_start3A_4] : memref<64x128xi32, #tpu.memory_space<hbm>> -> memref<1x128xi32, #tpu.memory_space<hbm>>
    %dma_start3A_6 = tpu.memref_squeeze %dma_start3A_5 : memref<1x128xi32, #tpu.memory_space<hbm>> -> memref<128xi32, #tpu.memory_space<hbm>>
    tpu.enqueue_dma source(%dma_start3A_6 : memref<128xi32, #tpu.memory_space<hbm>>) target(%arg4 : memref<128xi32, #tpu.memory_space<vmem>>) target_semaphore(%arg11 : memref<!tpu.dma_semaphore, #tpu.memory_space<semaphore_mem>>)
    %mul3A_7 = arith.constant 4 : i32
    %mul3A_8 = arith.muli %arg1, %mul3A_7 : i32
    %add3A_9 = arith.constant 1 : i32
    %add3A_10 = arith.addi %mul3A_8, %add3A_9 : i32
    %dma_start3A_11 = arith.constant 0 : i32
    %dma_start3A_12 = tpu.memref_slice %arg2[%add3A_10, %dma_start3A_11] : memref<64x128xi32, #tpu.memory_space<hbm>> -> memref<1x128xi32, #tpu.memory_space<hbm>>
    %dma_start3A_13 = tpu.memref_squeeze %dma_start3A_12 : memref<1x128xi32, #tpu.memory_space<hbm>> -> memref<128xi32, #tpu.memory_space<hbm>>
    %dma_start3A_14 = arith.constant 0 : i32
    %dma_start3A_15 = tpu.memref_slice %arg2[%add3A_10, %dma_start3A_14] : memref<64x128xi32, #tpu.memory_space<hbm>> -> memref<1x128xi32, #tpu.memory_space<hbm>>
    %dma_start3A_16 = tpu.memref_squeeze %dma_start3A_15 : memref<1x128xi32, #tpu.memory_space<hbm>> -> memref<128xi32, #tpu.memory_space<hbm>>
    tpu.enqueue_dma source(%dma_start3A_16 : memref<128xi32, #tpu.memory_space<hbm>>) target(%arg5 : memref<128xi32, #tpu.memory_space<vmem>>) target_semaphore(%arg11 : memref<!tpu.dma_semaphore, #tpu.memory_space<semaphore_mem>>)
    %mul3A_17 = arith.constant 4 : i32
    %mul3A_18 = arith.muli %arg1, %mul3A_17 : i32
    %add3A_19 = arith.constant 2 : i32
    %add3A_20 = arith.addi %mul3A_18, %add3A_19 : i32
    %dma_start3A_21 = arith.constant 0 : i32
    %dma_start3A_22 = tpu.memref_slice %arg2[%add3A_20, %dma_start3A_21] : memref<64x128xi32, #tpu.memory_space<hbm>> -> memref<1x128xi32, #tpu.memory_space<hbm>>
    %dma_start3A_23 = tpu.memref_squeeze %dma_start3A_22 : memref<1x128xi32, #tpu.memory_space<hbm>> -> memref<128xi32, #tpu.memory_space<hbm>>
    %dma_start3A_24 = arith.constant 0 : i32
    %dma_start3A_25 = tpu.memref_slice %arg2[%add3A_20, %dma_start3A_24] : memref<64x128xi32, #tpu.memory_space<hbm>> -> memref<1x128xi32, #tpu.memory_space<hbm>>
    %dma_start3A_26 = tpu.memref_squeeze %dma_start3A_25 : memref<1x128xi32, #tpu.memory_space<hbm>> -> memref<128xi32, #tpu.memory_space<hbm>>
    tpu.enqueue_dma source(%dma_start3A_26 : memref<128xi32, #tpu.memory_space<hbm>>) target(%arg6 : memref<128xi32, #tpu.memory_space<vmem>>) target_semaphore(%arg11 : memref<!tpu.dma_semaphore, #tpu.memory_space<semaphore_mem>>)
    %mul3A_27 = arith.constant 4 : i32
    %mul3A_28 = arith.muli %arg1, %mul3A_27 : i32
    %add3A_29 = arith.constant 3 : i32
    %add3A_30 = arith.addi %mul3A_28, %add3A_29 : i32
    %dma_start3A_31 = arith.constant 0 : i32
    %dma_start3A_32 = tpu.memref_slice %arg2[%add3A_30, %dma_start3A_31] : memref<64x128xi32, #tpu.memory_space<hbm>> -> memref<1x128xi32, #tpu.memory_space<hbm>>
    %dma_start3A_33 = tpu.memref_squeeze %dma_start3A_32 : memref<1x128xi32, #tpu.memory_space<hbm>> -> memref<128xi32, #tpu.memory_space<hbm>>
    %dma_start3A_34 = arith.constant 0 : i32
    %dma_start3A_35 = tpu.memref_slice %arg2[%add3A_30, %dma_start3A_34] : memref<64x128xi32, #tpu.memory_space<hbm>> -> memref<1x128xi32, #tpu.memory_space<hbm>>
    %dma_start3A_36 = tpu.memref_squeeze %dma_start3A_35 : memref<1x128xi32, #tpu.memory_space<hbm>> -> memref<128xi32, #tpu.memory_space<hbm>>
    tpu.enqueue_dma source(%dma_start3A_36 : memref<128xi32, #tpu.memory_space<hbm>>) target(%arg7 : memref<128xi32, #tpu.memory_space<vmem>>) target_semaphore(%arg11 : memref<!tpu.dma_semaphore, #tpu.memory_space<semaphore_mem>>)
    %broadcast_in_dim3A = arith.constant 1 : i32
    %broadcast_in_dim3A_37 = vector.broadcast %broadcast_in_dim3A : i32 to vector<16xi32>
    %broadcast_in_dim3A_38 = arith.constant 0 : i32
    %broadcast_in_dim3A_39 = vector.broadcast %broadcast_in_dim3A_38 : i32 to vector<16xi32>
    %swap3A = arith.constant 0 : index
    %swap3A_40 = tpu.vector_load %arg8[%swap3A] {strides = array<i32>} : memref<128xi32, #tpu.memory_space<vmem>>, vector<16xi32>,
    %swap3A_41 = vector.shape_cast %swap3A_40 : vector<16xi32> to vector<16xi32>
    %swap3A_42 = vector.shape_cast %broadcast_in_dim3A_37 : vector<16xi32> to vector<16xi32>
    tpu.vector_store %arg8[%swap3A], %swap3A_42 {strides = array<i32>} : memref<128xi32, #tpu.memory_space<vmem>>, vector<16xi32>,
    %swap3A_43 = arith.constant 16 : index
    %swap3A_44 = tpu.vector_load %arg8[%swap3A_43] {strides = array<i32>} : memref<128xi32, #tpu.memory_space<vmem>>, vector<16xi32>,
    %swap3A_45 = vector.shape_cast %swap3A_44 : vector<16xi32> to vector<16xi32>
    %swap3A_46 = vector.shape_cast %broadcast_in_dim3A_37 : vector<16xi32> to vector<16xi32>
    tpu.vector_store %arg8[%swap3A_43], %swap3A_46 {strides = array<i32>} : memref<128xi32, #tpu.memory_space<vmem>>, vector<16xi32>,
    %swap3A_47 = arith.constant 32 : index
    %swap3A_48 = tpu.vector_load %arg8[%swap3A_47] {strides = array<i32>} : memref<128xi32, #tpu.memory_space<vmem>>, vector<16xi32>,
    %swap3A_49 = vector.shape_cast %swap3A_48 : vector<16xi32> to vector<16xi32>
    %swap3A_50 = vector.shape_cast %broadcast_in_dim3A_37 : vector<16xi32> to vector<16xi32>
    tpu.vector_store %arg8[%swap3A_47], %swap3A_50 {strides = array<i32>} : memref<128xi32, #tpu.memory_space<vmem>>, vector<16xi32>,
    %swap3A_51 = arith.constant 48 : index
    %swap3A_52 = tpu.vector_load %arg8[%swap3A_51] {strides = array<i32>} : memref<128xi32, #tpu.memory_space<vmem>>, vector<16xi32>,
    %swap3A_53 = vector.shape_cast %swap3A_52 : vector<16xi32> to vector<16xi32>
    %swap3A_54 = vector.shape_cast %broadcast_in_dim3A_37 : vector<16xi32> to vector<16xi32>
    tpu.vector_store %arg8[%swap3A_51], %swap3A_54 {strides = array<i32>} : memref<128xi32, #tpu.memory_space<vmem>>, vector<16xi32>,
    %swap3A_55 = arith.constant 64 : index
    %swap3A_56 = tpu.vector_load %arg8[%swap3A_55] {strides = array<i32>} : memref<128xi32, #tpu.memory_space<vmem>>, vector<16xi32>,
    %swap3A_57 = vector.shape_cast %swap3A_56 : vector<16xi32> to vector<16xi32>
    %swap3A_58 = vector.shape_cast %broadcast_in_dim3A_37 : vector<16xi32> to vector<16xi32>
    tpu.vector_store %arg8[%swap3A_55], %swap3A_58 {strides = array<i32>} : memref<128xi32, #tpu.memory_space<vmem>>, vector<16xi32>,
    %swap3A_59 = arith.constant 80 : index
    %swap3A_60 = tpu.vector_load %arg8[%swap3A_59] {strides = array<i32>} : memref<128xi32, #tpu.memory_space<vmem>>, vector<16xi32>,
    %swap3A_61 = vector.shape_cast %swap3A_60 : vector<16xi32> to vector<16xi32>
    %swap3A_62 = vector.shape_cast %broadcast_in_dim3A_37 : vector<16xi32> to vector<16xi32>
    tpu.vector_store %arg8[%swap3A_59], %swap3A_62 {strides = array<i32>} : memref<128xi32, #tpu.memory_space<vmem>>, vector<16xi32>,
    %swap3A_63 = arith.constant 96 : index
    %swap3A_64 = tpu.vector_load %arg8[%swap3A_63] {strides = array<i32>} : memref<128xi32, #tpu.memory_space<vmem>>, vector<16xi32>,
    %swap3A_65 = vector.shape_cast %swap3A_64 : vector<16xi32> to vector<16xi32>
    %swap3A_66 = vector.shape_cast %broadcast_in_dim3A_37 : vector<16xi32> to vector<16xi32>
    tpu.vector_store %arg8[%swap3A_63], %swap3A_66 {strides = array<i32>} : memref<128xi32, #tpu.memory_space<vmem>>, vector<16xi32>,
    %swap3A_67 = arith.constant 112 : index
    %swap3A_68 = tpu.vector_load %arg8[%swap3A_67] {strides = array<i32>} : memref<128xi32, #tpu.memory_space<vmem>>, vector<16xi32>,
    %swap3A_69 = vector.shape_cast %swap3A_68 : vector<16xi32> to vector<16xi32>
    %swap3A_70 = vector.shape_cast %broadcast_in_dim3A_37 : vector<16xi32> to vector<16xi32>
    tpu.vector_store %arg8[%swap3A_67], %swap3A_70 {strides = array<i32>} : memref<128xi32, #tpu.memory_space<vmem>>, vector<16xi32>,
    %swap3A_71 = arith.constant 0 : index
    %swap3A_72 = tpu.vector_load %arg9[%swap3A_71] {strides = array<i32>} : memref<256xi32, #tpu.memory_space<vmem>>, vector<16xi32>,
    %swap3A_73 = vector.shape_cast %swap3A_72 : vector<16xi32> to vector<16xi32>
    %swap3A_74 = vector.shape_cast %broadcast_in_dim3A_39 : vector<16xi32> to vector<16xi32>
    tpu.vector_store %arg9[%swap3A_71], %swap3A_74 {strides = array<i32>} : memref<256xi32, #tpu.memory_space<vmem>>, vector<16xi32>,
    %swap3A_75 = arith.constant 16 : index
    %swap3A_76 = tpu.vector_load %arg9[%swap3A_75] {strides = array<i32>} : memref<256xi32, #tpu.memory_space<vmem>>, vector<16xi32>,
    %swap3A_77 = vector.shape_cast %swap3A_76 : vector<16xi32> to vector<16xi32>
    %swap3A_78 = vector.shape_cast %broadcast_in_dim3A_39 : vector<16xi32> to vector<16xi32>
    tpu.vector_store %arg9[%swap3A_75], %swap3A_78 {strides = array<i32>} : memref<256xi32, #tpu.memory_space<vmem>>, vector<16xi32>,
    %swap3A_79 = arith.constant 32 : index
    %swap3A_80 = tpu.vector_load %arg9[%swap3A_79] {strides = array<i32>} : memref<256xi32, #tpu.memory_space<vmem>>, vector<16xi32>,
    %swap3A_81 = vector.shape_cast %swap3A_80 : vector<16xi32> to vector<16xi32>
    %swap3A_82 = vector.shape_cast %broadcast_in_dim3A_39 : vector<16xi32> to vector<16xi32>
    tpu.vector_store %arg9[%swap3A_79], %swap3A_82 {strides = array<i32>} : memref<256xi32, #tpu.memory_space<vmem>>, vector<16xi32>,
    %swap3A_83 = arith.constant 48 : index
    %swap3A_84 = tpu.vector_load %arg9[%swap3A_83] {strides = array<i32>} : memref<256xi32, #tpu.memory_space<vmem>>, vector<16xi32>,
    %swap3A_85 = vector.shape_cast %swap3A_84 : vector<16xi32> to vector<16xi32>
    %swap3A_86 = vector.shape_cast %broadcast_in_dim3A_39 : vector<16xi32> to vector<16xi32>
    tpu.vector_store %arg9[%swap3A_83], %swap3A_86 {strides = array<i32>} : memref<256xi32, #tpu.memory_space<vmem>>, vector<16xi32>,
    %swap3A_87 = arith.constant 64 : index
    %swap3A_88 = tpu.vector_load %arg9[%swap3A_87] {strides = array<i32>} : memref<256xi32, #tpu.memory_space<vmem>>, vector<16xi32>,
    %swap3A_89 = vector.shape_cast %swap3A_88 : vector<16xi32> to vector<16xi32>
    %swap3A_90 = vector.shape_cast %broadcast_in_dim3A_39 : vector<16xi32> to vector<16xi32>
    tpu.vector_store %arg9[%swap3A_87], %swap3A_90 {strides = array<i32>} : memref<256xi32, #tpu.memory_space<vmem>>, vector<16xi32>,
    %swap3A_91 = arith.constant 80 : index
    %swap3A_92 = tpu.vector_load %arg9[%swap3A_91] {strides = array<i32>} : memref<256xi32, #tpu.memory_space<vmem>>, vector<16xi32>,
    %swap3A_93 = vector.shape_cast %swap3A_92 : vector<16xi32> to vector<16xi32>
    %swap3A_94 = vector.shape_cast %broadcast_in_dim3A_39 : vector<16xi32> to vector<16xi32>
    tpu.vector_store %arg9[%swap3A_91], %swap3A_94 {strides = array<i32>} : memref<256xi32, #tpu.memory_space<vmem>>, vector<16xi32>,
    %swap3A_95 = arith.constant 96 : index
    %swap3A_96 = tpu.vector_load %arg9[%swap3A_95] {strides = array<i32>} : memref<256xi32, #tpu.memory_space<vmem>>, vector<16xi32>,
    %swap3A_97 = vector.shape_cast %swap3A_96 : vector<16xi32> to vector<16xi32>
    %swap3A_98 = vector.shape_cast %broadcast_in_dim3A_39 : vector<16xi32> to vector<16xi32>
    tpu.vector_store %arg9[%swap3A_95], %swap3A_98 {strides = array<i32>} : memref<256xi32, #tpu.memory_space<vmem>>, vector<16xi32>,
    %swap3A_99 = arith.constant 112 : index
    %swap3A_100 = tpu.vector_load %arg9[%swap3A_99] {strides = array<i32>} : memref<256xi32, #tpu.memory_space<vmem>>, vector<16xi32>,
    %swap3A_101 = vector.shape_cast %swap3A_100 : vector<16xi32> to vector<16xi32>
    %swap3A_102 = vector.shape_cast %broadcast_in_dim3A_39 : vector<16xi32> to vector<16xi32>
    tpu.vector_store %arg9[%swap3A_99], %swap3A_102 {strides = array<i32>} : memref<256xi32, #tpu.memory_space<vmem>>, vector<16xi32>,
    %swap3A_103 = arith.constant 128 : index
    %swap3A_104 = tpu.vector_load %arg9[%swap3A_103] {strides = array<i32>} : memref<256xi32, #tpu.memory_space<vmem>>, vector<16xi32>,
    %swap3A_105 = vector.shape_cast %swap3A_104 : vector<16xi32> to vector<16xi32>
    %swap3A_106 = vector.shape_cast %broadcast_in_dim3A_39 : vector<16xi32> to vector<16xi32>
    tpu.vector_store %arg9[%swap3A_103], %swap3A_106 {strides = array<i32>} : memref<256xi32, #tpu.memory_space<vmem>>, vector<16xi32>,
    %swap3A_107 = arith.constant 144 : index
    %swap3A_108 = tpu.vector_load %arg9[%swap3A_107] {strides = array<i32>} : memref<256xi32, #tpu.memory_space<vmem>>, vector<16xi32>,
    %swap3A_109 = vector.shape_cast %swap3A_108 : vector<16xi32> to vector<16xi32>
    %swap3A_110 = vector.shape_cast %broadcast_in_dim3A_39 : vector<16xi32> to vector<16xi32>
    tpu.vector_store %arg9[%swap3A_107], %swap3A_110 {strides = array<i32>} : memref<256xi32, #tpu.memory_space<vmem>>, vector<16xi32>,
    %swap3A_111 = arith.constant 160 : index
    %swap3A_112 = tpu.vector_load %arg9[%swap3A_111] {strides = array<i32>} : memref<256xi32, #tpu.memory_space<vmem>>, vector<16xi32>,
    %swap3A_113 = vector.shape_cast %swap3A_112 : vector<16xi32> to vector<16xi32>
    %swap3A_114 = vector.shape_cast %broadcast_in_dim3A_39 : vector<16xi32> to vector<16xi32>
    tpu.vector_store %arg9[%swap3A_111], %swap3A_114 {strides = array<i32>} : memref<256xi32, #tpu.memory_space<vmem>>, vector<16xi32>,
    %swap3A_115 = arith.constant 176 : index
    %swap3A_116 = tpu.vector_load %arg9[%swap3A_115] {strides = array<i32>} : memref<256xi32, #tpu.memory_space<vmem>>, vector<16xi32>,
    %swap3A_117 = vector.shape_cast %swap3A_116 : vector<16xi32> to vector<16xi32>
    %swap3A_118 = vector.shape_cast %broadcast_in_dim3A_39 : vector<16xi32> to vector<16xi32>
    tpu.vector_store %arg9[%swap3A_115], %swap3A_118 {strides = array<i32>} : memref<256xi32, #tpu.memory_space<vmem>>, vector<16xi32>,
    %swap3A_119 = arith.constant 192 : index
    %swap3A_120 = tpu.vector_load %arg9[%swap3A_119] {strides = array<i32>} : memref<256xi32, #tpu.memory_space<vmem>>, vector<16xi32>,
    %swap3A_121 = vector.shape_cast %swap3A_120 : vector<16xi32> to vector<16xi32>
    %swap3A_122 = vector.shape_cast %broadcast_in_dim3A_39 : vector<16xi32> to vector<16xi32>
    tpu.vector_store %arg9[%swap3A_119], %swap3A_122 {strides = array<i32>} : memref<256xi32, #tpu.memory_space<vmem>>, vector<16xi32>,
    %swap3A_123 = arith.constant 208 : index
    %swap3A_124 = tpu.vector_load %arg9[%swap3A_123] {strides = array<i32>} : memref<256xi32, #tpu.memory_space<vmem>>, vector<16xi32>,
    %swap3A_125 = vector.shape_cast %swap3A_124 : vector<16xi32> to vector<16xi32>
    %swap3A_126 = vector.shape_cast %broadcast_in_dim3A_39 : vector<16xi32> to vector<16xi32>
    tpu.vector_store %arg9[%swap3A_123], %swap3A_126 {strides = array<i32>} : memref<256xi32, #tpu.memory_space<vmem>>, vector<16xi32>,
    %swap3A_127 = arith.constant 224 : index
    %swap3A_128 = tpu.vector_load %arg9[%swap3A_127] {strides = array<i32>} : memref<256xi32, #tpu.memory_space<vmem>>, vector<16xi32>,
    %swap3A_129 = vector.shape_cast %swap3A_128 : vector<16xi32> to vector<16xi32>
    %swap3A_130 = vector.shape_cast %broadcast_in_dim3A_39 : vector<16xi32> to vector<16xi32>
    tpu.vector_store %arg9[%swap3A_127], %swap3A_130 {strides = array<i32>} : memref<256xi32, #tpu.memory_space<vmem>>, vector<16xi32>,
    %swap3A_131 = arith.constant 240 : index
    %swap3A_132 = tpu.vector_load %arg9[%swap3A_131] {strides = array<i32>} : memref<256xi32, #tpu.memory_space<vmem>>, vector<16xi32>,
    %swap3A_133 = vector.shape_cast %swap3A_132 : vector<16xi32> to vector<16xi32>
    %swap3A_134 = vector.shape_cast %broadcast_in_dim3A_39 : vector<16xi32> to vector<16xi32>
    tpu.vector_store %arg9[%swap3A_131], %swap3A_134 {strides = array<i32>} : memref<256xi32, #tpu.memory_space<vmem>>, vector<16xi32>,
    %mul3A_135 = arith.constant 256 : i32
    %mul3A_136 = arith.muli %arg1, %mul3A_135 : i32
    "tpu.region"() ({
      %run_scoped3A = tpu.sem_alloc : memref<!tpu.dma_semaphore, #tpu.memory_space<semaphore_mem>>
      %dma_start3A_181 = tpu.memref_slice %arg10[%mul3A_136] : memref<4096xi32, #tpu.memory_space<vmem_shared>> -> memref<256xi32, #tpu.memory_space<vmem_shared>>
      %dma_start3A_182 = tpu.memref_slice %arg10[%mul3A_136] : memref<4096xi32, #tpu.memory_space<vmem_shared>> -> memref<256xi32, #tpu.memory_space<vmem_shared>>
      tpu.enqueue_dma source(%arg9 : memref<256xi32, #tpu.memory_space<vmem>>) target(%dma_start3A_182 : memref<256xi32, #tpu.memory_space<vmem_shared>>) target_semaphore(%run_scoped3A : memref<!tpu.dma_semaphore, #tpu.memory_space<semaphore_mem>>)
      %dma_wait3A_183 = tpu.memref_slice %arg10[%mul3A_136] : memref<4096xi32, #tpu.memory_space<vmem_shared>> -> memref<256xi32, #tpu.memory_space<vmem_shared>>
      %dma_wait3A_184 = tpu.memref_slice %arg10[%mul3A_136] : memref<4096xi32, #tpu.memory_space<vmem_shared>> -> memref<256xi32, #tpu.memory_space<vmem_shared>>
      tpu.wait_dma2 semaphore(%run_scoped3A : memref<!tpu.dma_semaphore, #tpu.memory_space<semaphore_mem>>) src(%arg9 : memref<256xi32, #tpu.memory_space<vmem>>) dst(%dma_wait3A_184 : memref<256xi32, #tpu.memory_space<vmem_shared>>)
      tpu.yield
    }) : () -> ()
    %dma_wait3A = arith.constant 0 : i32
    %dma_wait3A_137 = tpu.memref_slice %arg2[%add3A_1, %dma_wait3A] : memref<64x128xi32, #tpu.memory_space<hbm>> -> memref<1x128xi32, #tpu.memory_space<hbm>>
    %dma_wait3A_138 = tpu.memref_squeeze %dma_wait3A_137 : memref<1x128xi32, #tpu.memory_space<hbm>> -> memref<128xi32, #tpu.memory_space<hbm>>
    %dma_wait3A_139 = arith.constant 0 : i32
    %dma_wait3A_140 = tpu.memref_slice %arg2[%add3A_1, %dma_wait3A_139] : memref<64x128xi32, #tpu.memory_space<hbm>> -> memref<1x128xi32, #tpu.memory_space<hbm>>
    %dma_wait3A_141 = tpu.memref_squeeze %dma_wait3A_140 : memref<1x128xi32, #tpu.memory_space<hbm>> -> memref<128xi32, #tpu.memory_space<hbm>>
    tpu.wait_dma2 semaphore(%arg11 : memref<!tpu.dma_semaphore, #tpu.memory_space<semaphore_mem>>) src(%dma_wait3A_141 : memref<128xi32, #tpu.memory_space<hbm>>) dst(%arg4 : memref<128xi32, #tpu.memory_space<vmem>>)
    %dma_wait3A_142 = arith.constant 0 : i32
    %dma_wait3A_143 = tpu.memref_slice %arg2[%add3A_10, %dma_wait3A_142] : memref<64x128xi32, #tpu.memory_space<hbm>> -> memref<1x128xi32, #tpu.memory_space<hbm>>
    %dma_wait3A_144 = tpu.memref_squeeze %dma_wait3A_143 : memref<1x128xi32, #tpu.memory_space<hbm>> -> memref<128xi32, #tpu.memory_space<hbm>>
    %dma_wait3A_145 = arith.constant 0 : i32
    %dma_wait3A_146 = tpu.memref_slice %arg2[%add3A_10, %dma_wait3A_145] : memref<64x128xi32, #tpu.memory_space<hbm>> -> memref<1x128xi32, #tpu.memory_space<hbm>>
    %dma_wait3A_147 = tpu.memref_squeeze %dma_wait3A_146 : memref<1x128xi32, #tpu.memory_space<hbm>> -> memref<128xi32, #tpu.memory_space<hbm>>
    tpu.wait_dma2 semaphore(%arg11 : memref<!tpu.dma_semaphore, #tpu.memory_space<semaphore_mem>>) src(%dma_wait3A_147 : memref<128xi32, #tpu.memory_space<hbm>>) dst(%arg5 : memref<128xi32, #tpu.memory_space<vmem>>)
    %dma_wait3A_148 = arith.constant 0 : i32
    %dma_wait3A_149 = tpu.memref_slice %arg2[%add3A_20, %dma_wait3A_148] : memref<64x128xi32, #tpu.memory_space<hbm>> -> memref<1x128xi32, #tpu.memory_space<hbm>>
    %dma_wait3A_150 = tpu.memref_squeeze %dma_wait3A_149 : memref<1x128xi32, #tpu.memory_space<hbm>> -> memref<128xi32, #tpu.memory_space<hbm>>
    %dma_wait3A_151 = arith.constant 0 : i32
    %dma_wait3A_152 = tpu.memref_slice %arg2[%add3A_20, %dma_wait3A_151] : memref<64x128xi32, #tpu.memory_space<hbm>> -> memref<1x128xi32, #tpu.memory_space<hbm>>
    %dma_wait3A_153 = tpu.memref_squeeze %dma_wait3A_152 : memref<1x128xi32, #tpu.memory_space<hbm>> -> memref<128xi32, #tpu.memory_space<hbm>>
    tpu.wait_dma2 semaphore(%arg11 : memref<!tpu.dma_semaphore, #tpu.memory_space<semaphore_mem>>) src(%dma_wait3A_153 : memref<128xi32, #tpu.memory_space<hbm>>) dst(%arg6 : memref<128xi32, #tpu.memory_space<vmem>>)
    %dma_wait3A_154 = arith.constant 0 : i32
    %dma_wait3A_155 = tpu.memref_slice %arg2[%add3A_30, %dma_wait3A_154] : memref<64x128xi32, #tpu.memory_space<hbm>> -> memref<1x128xi32, #tpu.memory_space<hbm>>
    %dma_wait3A_156 = tpu.memref_squeeze %dma_wait3A_155 : memref<1x128xi32, #tpu.memory_space<hbm>> -> memref<128xi32, #tpu.memory_space<hbm>>
    %dma_wait3A_157 = arith.constant 0 : i32
    %dma_wait3A_158 = tpu.memref_slice %arg2[%add3A_30, %dma_wait3A_157] : memref<64x128xi32, #tpu.memory_space<hbm>> -> memref<1x128xi32, #tpu.memory_space<hbm>>
    %dma_wait3A_159 = tpu.memref_squeeze %dma_wait3A_158 : memref<1x128xi32, #tpu.memory_space<hbm>> -> memref<128xi32, #tpu.memory_space<hbm>>
    tpu.wait_dma2 semaphore(%arg11 : memref<!tpu.dma_semaphore, #tpu.memory_space<semaphore_mem>>) src(%dma_wait3A_159 : memref<128xi32, #tpu.memory_space<hbm>>) dst(%arg7 : memref<128xi32, #tpu.memory_space<vmem>>)
    %barrier3A = arith.constant 0 : index
    tpu.barrier barrier_id(%barrier3A)
    %dma_start3A_160 = arith.constant 0 : i32
    %dma_start3A_161 = tpu.memref_slice %arg10[%dma_start3A_160] : memref<4096xi32, #tpu.memory_space<vmem_shared>> -> memref<4096xi32, #tpu.memory_space<vmem_shared>>
    tpu.enqueue_indirect_dma source(%arg8 : memref<128xi32, #tpu.memory_space<vmem>>) target(%dma_start3A_161 : memref<4096xi32, #tpu.memory_space<vmem_shared>>) offsets(%arg4 : memref<128xi32, #tpu.memory_space<vmem>>) semaphore(%arg11 : memref<!tpu.dma_semaphore, #tpu.memory_space<semaphore_mem>>) {add = true}
    %dma_start3A_162 = arith.constant 0 : i32
    %dma_start3A_163 = tpu.memref_slice %arg10[%dma_start3A_162] : memref<4096xi32, #tpu.memory_space<vmem_shared>> -> memref<4096xi32, #tpu.memory_space<vmem_shared>>
    tpu.enqueue_indirect_dma source(%arg8 : memref<128xi32, #tpu.memory_space<vmem>>) target(%dma_start3A_163 : memref<4096xi32, #tpu.memory_space<vmem_shared>>) offsets(%arg5 : memref<128xi32, #tpu.memory_space<vmem>>) semaphore(%arg11 : memref<!tpu.dma_semaphore, #tpu.memory_space<semaphore_mem>>) {add = true}
    %dma_start3A_164 = arith.constant 0 : i32
    %dma_start3A_165 = tpu.memref_slice %arg10[%dma_start3A_164] : memref<4096xi32, #tpu.memory_space<vmem_shared>> -> memref<4096xi32, #tpu.memory_space<vmem_shared>>
    tpu.enqueue_indirect_dma source(%arg8 : memref<128xi32, #tpu.memory_space<vmem>>) target(%dma_start3A_165 : memref<4096xi32, #tpu.memory_space<vmem_shared>>) offsets(%arg6 : memref<128xi32, #tpu.memory_space<vmem>>) semaphore(%arg11 : memref<!tpu.dma_semaphore, #tpu.memory_space<semaphore_mem>>) {add = true}
    %dma_start3A_166 = arith.constant 0 : i32
    %dma_start3A_167 = tpu.memref_slice %arg10[%dma_start3A_166] : memref<4096xi32, #tpu.memory_space<vmem_shared>> -> memref<4096xi32, #tpu.memory_space<vmem_shared>>
    tpu.enqueue_indirect_dma source(%arg8 : memref<128xi32, #tpu.memory_space<vmem>>) target(%dma_start3A_167 : memref<4096xi32, #tpu.memory_space<vmem_shared>>) offsets(%arg7 : memref<128xi32, #tpu.memory_space<vmem>>) semaphore(%arg11 : memref<!tpu.dma_semaphore, #tpu.memory_space<semaphore_mem>>) {add = true}
    %dma_wait3A_168 = arith.constant 0 : i32
    %dma_wait3A_169 = tpu.memref_slice %arg10[%dma_wait3A_168] : memref<4096xi32, #tpu.memory_space<vmem_shared>> -> memref<4096xi32, #tpu.memory_space<vmem_shared>>
    tpu.wait_indirect_dma semaphore(%arg11 : memref<!tpu.dma_semaphore, #tpu.memory_space<semaphore_mem>>) src(%arg8 : memref<128xi32, #tpu.memory_space<vmem>>) dst(%dma_wait3A_169 : memref<4096xi32, #tpu.memory_space<vmem_shared>>)
    %dma_wait3A_170 = arith.constant 0 : i32
    %dma_wait3A_171 = tpu.memref_slice %arg10[%dma_wait3A_170] : memref<4096xi32, #tpu.memory_space<vmem_shared>> -> memref<4096xi32, #tpu.memory_space<vmem_shared>>
    tpu.wait_indirect_dma semaphore(%arg11 : memref<!tpu.dma_semaphore, #tpu.memory_space<semaphore_mem>>) src(%arg8 : memref<128xi32, #tpu.memory_space<vmem>>) dst(%dma_wait3A_171 : memref<4096xi32, #tpu.memory_space<vmem_shared>>)
    %dma_wait3A_172 = arith.constant 0 : i32
    %dma_wait3A_173 = tpu.memref_slice %arg10[%dma_wait3A_172] : memref<4096xi32, #tpu.memory_space<vmem_shared>> -> memref<4096xi32, #tpu.memory_space<vmem_shared>>
    tpu.wait_indirect_dma semaphore(%arg11 : memref<!tpu.dma_semaphore, #tpu.memory_space<semaphore_mem>>) src(%arg8 : memref<128xi32, #tpu.memory_space<vmem>>) dst(%dma_wait3A_173 : memref<4096xi32, #tpu.memory_space<vmem_shared>>)
    %dma_wait3A_174 = arith.constant 0 : i32
    %dma_wait3A_175 = tpu.memref_slice %arg10[%dma_wait3A_174] : memref<4096xi32, #tpu.memory_space<vmem_shared>> -> memref<4096xi32, #tpu.memory_space<vmem_shared>>
    tpu.wait_indirect_dma semaphore(%arg11 : memref<!tpu.dma_semaphore, #tpu.memory_space<semaphore_mem>>) src(%arg8 : memref<128xi32, #tpu.memory_space<vmem>>) dst(%dma_wait3A_175 : memref<4096xi32, #tpu.memory_space<vmem_shared>>)
    %barrier3A_176 = arith.constant 0 : index
    tpu.barrier barrier_id(%barrier3A_176)
    %mul3A_177 = arith.constant 256 : i32
    %mul3A_178 = arith.muli %arg1, %mul3A_177 : i32
    %mul3A_179 = arith.constant 256 : i32
    %mul3A_180 = arith.muli %arg1, %mul3A_179 : i32
    "tpu.region"() ({
      %run_scoped3A = tpu.sem_alloc : memref<!tpu.dma_semaphore, #tpu.memory_space<semaphore_mem>>
      %dma_start3A_181 = tpu.memref_slice %arg3[%mul3A_180] : memref<4096xi32, #tpu.memory_space<hbm>> -> memref<256xi32, #tpu.memory_space<hbm>>
      %dma_start3A_182 = tpu.memref_slice %arg10[%mul3A_178] : memref<4096xi32, #tpu.memory_space<vmem_shared>> -> memref<256xi32, #tpu.memory_space<vmem_shared>>
      tpu.enqueue_dma source(%dma_start3A_182 : memref<256xi32, #tpu.memory_space<vmem_shared>>) target(%dma_start3A_181 : memref<256xi32, #tpu.memory_space<hbm>>) target_semaphore(%run_scoped3A : memref<!tpu.dma_semaphore, #tpu.memory_space<semaphore_mem>>)
      %dma_wait3A_183 = tpu.memref_slice %arg3[%mul3A_180] : memref<4096xi32, #tpu.memory_space<hbm>> -> memref<256xi32, #tpu.memory_space<hbm>>
      %dma_wait3A_184 = tpu.memref_slice %arg10[%mul3A_178] : memref<4096xi32, #tpu.memory_space<vmem_shared>> -> memref<256xi32, #tpu.memory_space<vmem_shared>>
      tpu.wait_dma2 semaphore(%run_scoped3A : memref<!tpu.dma_semaphore, #tpu.memory_space<semaphore_mem>>) src(%dma_wait3A_184 : memref<256xi32, #tpu.memory_space<vmem_shared>>) dst(%dma_wait3A_183 : memref<256xi32, #tpu.memory_space<hbm>>)
      tpu.yield
    }) : () -> ()
    return
  }
}

module attributes {stable_mosaic.version = 14 : i64} {
  func.func @_argmax_body(%arg0: i32, %arg1: memref<512x4096xf32, #tpu.memory_space<vmem>>, %arg2: memref<1x4x128xi32, #tpu.memory_space<vmem>>) attributes {dimension_semantics = [#tpu.dimension_semantics<arbitrary>], iteration_bounds = array<i64: 16>, scalar_prefetch = 0 : i64, scratch_operands = 0 : i64, tpu.core_type = #tpu.core_type<tc>, window_params = [{transform_indices = @transform_0, window_bounds = array<i64: 512, 4096>}, {transform_indices = @transform_1, window_bounds = array<i64: 1, 4, 128>}]} {
    %get3A = arith.constant 0 : index
    %get3A_0 = arith.constant 0 : index
    %get3A_1 = vector.load %arg1[%get3A, %get3A_0] : memref<512x4096xf32, #tpu.memory_space<vmem>>, vector<512x128xf32>
    %broadcast_in_dim3A = arith.constant 0 : i32
    %broadcast_in_dim3A_2 = vector.broadcast %broadcast_in_dim3A : i32 to vector<512x128xi32>
    %get3A_3 = arith.constant 0 : index
    %get3A_4 = arith.constant 128 : index
    %get3A_5 = vector.load %arg1[%get3A_3, %get3A_4] : memref<512x4096xf32, #tpu.memory_space<vmem>>, vector<512x128xf32>
    %gt3A = arith.cmpf ogt, %get3A_5, %get3A_1 : vector<512x128xf32>
    %select_n3A = arith.select %gt3A, %get3A_5, %get3A_1 : vector<512x128xi1>, vector<512x128xf32>
    %jit3A = arith.constant 1 : i32
    %broadcast_in_dim3A_6 = vector.broadcast %jit3A : i32 to vector<512x128xi32>
    %select_n3A_7 = arith.select %gt3A, %broadcast_in_dim3A_6, %broadcast_in_dim3A_2 : vector<512x128xi1>, vector<512x128xi32>
    %get3A_8 = arith.constant 0 : index
    %get3A_9 = arith.constant 256 : index
    %get3A_10 = vector.load %arg1[%get3A_8, %get3A_9] : memref<512x4096xf32, #tpu.memory_space<vmem>>, vector<512x128xf32>
    %gt3A_11 = arith.cmpf ogt, %get3A_10, %select_n3A : vector<512x128xf32>
    %select_n3A_12 = arith.select %gt3A_11, %get3A_10, %select_n3A : vector<512x128xi1>, vector<512x128xf32>
    %jit3A_13 = arith.constant 2 : i32
    %broadcast_in_dim3A_14 = vector.broadcast %jit3A_13 : i32 to vector<512x128xi32>
    %select_n3A_15 = arith.select %gt3A_11, %broadcast_in_dim3A_14, %select_n3A_7 : vector<512x128xi1>, vector<512x128xi32>
    %get3A_16 = arith.constant 0 : index
    %get3A_17 = arith.constant 384 : index
    %get3A_18 = vector.load %arg1[%get3A_16, %get3A_17] : memref<512x4096xf32, #tpu.memory_space<vmem>>, vector<512x128xf32>
    %gt3A_19 = arith.cmpf ogt, %get3A_18, %select_n3A_12 : vector<512x128xf32>
    %select_n3A_20 = arith.select %gt3A_19, %get3A_18, %select_n3A_12 : vector<512x128xi1>, vector<512x128xf32>
    %jit3A_21 = arith.constant 3 : i32
    %broadcast_in_dim3A_22 = vector.broadcast %jit3A_21 : i32 to vector<512x128xi32>
    %select_n3A_23 = arith.select %gt3A_19, %broadcast_in_dim3A_22, %select_n3A_15 : vector<512x128xi1>, vector<512x128xi32>
    %get3A_24 = arith.constant 0 : index
    %get3A_25 = arith.constant 512 : index
    %get3A_26 = vector.load %arg1[%get3A_24, %get3A_25] : memref<512x4096xf32, #tpu.memory_space<vmem>>, vector<512x128xf32>
    %gt3A_27 = arith.cmpf ogt, %get3A_26, %select_n3A_20 : vector<512x128xf32>
    %select_n3A_28 = arith.select %gt3A_27, %get3A_26, %select_n3A_20 : vector<512x128xi1>, vector<512x128xf32>
    %jit3A_29 = arith.constant 4 : i32
    %broadcast_in_dim3A_30 = vector.broadcast %jit3A_29 : i32 to vector<512x128xi32>
    %select_n3A_31 = arith.select %gt3A_27, %broadcast_in_dim3A_30, %select_n3A_23 : vector<512x128xi1>, vector<512x128xi32>
    %get3A_32 = arith.constant 0 : index
    %get3A_33 = arith.constant 640 : index
    %get3A_34 = vector.load %arg1[%get3A_32, %get3A_33] : memref<512x4096xf32, #tpu.memory_space<vmem>>, vector<512x128xf32>
    %gt3A_35 = arith.cmpf ogt, %get3A_34, %select_n3A_28 : vector<512x128xf32>
    %select_n3A_36 = arith.select %gt3A_35, %get3A_34, %select_n3A_28 : vector<512x128xi1>, vector<512x128xf32>
    %jit3A_37 = arith.constant 5 : i32
    %broadcast_in_dim3A_38 = vector.broadcast %jit3A_37 : i32 to vector<512x128xi32>
    %select_n3A_39 = arith.select %gt3A_35, %broadcast_in_dim3A_38, %select_n3A_31 : vector<512x128xi1>, vector<512x128xi32>
    %get3A_40 = arith.constant 0 : index
    %get3A_41 = arith.constant 768 : index
    %get3A_42 = vector.load %arg1[%get3A_40, %get3A_41] : memref<512x4096xf32, #tpu.memory_space<vmem>>, vector<512x128xf32>
    %gt3A_43 = arith.cmpf ogt, %get3A_42, %select_n3A_36 : vector<512x128xf32>
    %select_n3A_44 = arith.select %gt3A_43, %get3A_42, %select_n3A_36 : vector<512x128xi1>, vector<512x128xf32>
    %jit3A_45 = arith.constant 6 : i32
    %broadcast_in_dim3A_46 = vector.broadcast %jit3A_45 : i32 to vector<512x128xi32>
    %select_n3A_47 = arith.select %gt3A_43, %broadcast_in_dim3A_46, %select_n3A_39 : vector<512x128xi1>, vector<512x128xi32>
    %get3A_48 = arith.constant 0 : index
    %get3A_49 = arith.constant 896 : index
    %get3A_50 = vector.load %arg1[%get3A_48, %get3A_49] : memref<512x4096xf32, #tpu.memory_space<vmem>>, vector<512x128xf32>
    %gt3A_51 = arith.cmpf ogt, %get3A_50, %select_n3A_44 : vector<512x128xf32>
    %select_n3A_52 = arith.select %gt3A_51, %get3A_50, %select_n3A_44 : vector<512x128xi1>, vector<512x128xf32>
    %jit3A_53 = arith.constant 7 : i32
    %broadcast_in_dim3A_54 = vector.broadcast %jit3A_53 : i32 to vector<512x128xi32>
    %select_n3A_55 = arith.select %gt3A_51, %broadcast_in_dim3A_54, %select_n3A_47 : vector<512x128xi1>, vector<512x128xi32>
    %get3A_56 = arith.constant 0 : index
    %get3A_57 = arith.constant 1024 : index
    %get3A_58 = vector.load %arg1[%get3A_56, %get3A_57] : memref<512x4096xf32, #tpu.memory_space<vmem>>, vector<512x128xf32>
    %gt3A_59 = arith.cmpf ogt, %get3A_58, %select_n3A_52 : vector<512x128xf32>
    %select_n3A_60 = arith.select %gt3A_59, %get3A_58, %select_n3A_52 : vector<512x128xi1>, vector<512x128xf32>
    %jit3A_61 = arith.constant 8 : i32
    %broadcast_in_dim3A_62 = vector.broadcast %jit3A_61 : i32 to vector<512x128xi32>
    %select_n3A_63 = arith.select %gt3A_59, %broadcast_in_dim3A_62, %select_n3A_55 : vector<512x128xi1>, vector<512x128xi32>
    %get3A_64 = arith.constant 0 : index
    %get3A_65 = arith.constant 1152 : index
    %get3A_66 = vector.load %arg1[%get3A_64, %get3A_65] : memref<512x4096xf32, #tpu.memory_space<vmem>>, vector<512x128xf32>
    %gt3A_67 = arith.cmpf ogt, %get3A_66, %select_n3A_60 : vector<512x128xf32>
    %select_n3A_68 = arith.select %gt3A_67, %get3A_66, %select_n3A_60 : vector<512x128xi1>, vector<512x128xf32>
    %jit3A_69 = arith.constant 9 : i32
    %broadcast_in_dim3A_70 = vector.broadcast %jit3A_69 : i32 to vector<512x128xi32>
    %select_n3A_71 = arith.select %gt3A_67, %broadcast_in_dim3A_70, %select_n3A_63 : vector<512x128xi1>, vector<512x128xi32>
    %get3A_72 = arith.constant 0 : index
    %get3A_73 = arith.constant 1280 : index
    %get3A_74 = vector.load %arg1[%get3A_72, %get3A_73] : memref<512x4096xf32, #tpu.memory_space<vmem>>, vector<512x128xf32>
    %gt3A_75 = arith.cmpf ogt, %get3A_74, %select_n3A_68 : vector<512x128xf32>
    %select_n3A_76 = arith.select %gt3A_75, %get3A_74, %select_n3A_68 : vector<512x128xi1>, vector<512x128xf32>
    %jit3A_77 = arith.constant 10 : i32
    %broadcast_in_dim3A_78 = vector.broadcast %jit3A_77 : i32 to vector<512x128xi32>
    %select_n3A_79 = arith.select %gt3A_75, %broadcast_in_dim3A_78, %select_n3A_71 : vector<512x128xi1>, vector<512x128xi32>
    %get3A_80 = arith.constant 0 : index
    %get3A_81 = arith.constant 1408 : index
    %get3A_82 = vector.load %arg1[%get3A_80, %get3A_81] : memref<512x4096xf32, #tpu.memory_space<vmem>>, vector<512x128xf32>
    %gt3A_83 = arith.cmpf ogt, %get3A_82, %select_n3A_76 : vector<512x128xf32>
    %select_n3A_84 = arith.select %gt3A_83, %get3A_82, %select_n3A_76 : vector<512x128xi1>, vector<512x128xf32>
    %jit3A_85 = arith.constant 11 : i32
    %broadcast_in_dim3A_86 = vector.broadcast %jit3A_85 : i32 to vector<512x128xi32>
    %select_n3A_87 = arith.select %gt3A_83, %broadcast_in_dim3A_86, %select_n3A_79 : vector<512x128xi1>, vector<512x128xi32>
    %get3A_88 = arith.constant 0 : index
    %get3A_89 = arith.constant 1536 : index
    %get3A_90 = vector.load %arg1[%get3A_88, %get3A_89] : memref<512x4096xf32, #tpu.memory_space<vmem>>, vector<512x128xf32>
    %gt3A_91 = arith.cmpf ogt, %get3A_90, %select_n3A_84 : vector<512x128xf32>
    %select_n3A_92 = arith.select %gt3A_91, %get3A_90, %select_n3A_84 : vector<512x128xi1>, vector<512x128xf32>
    %jit3A_93 = arith.constant 12 : i32
    %broadcast_in_dim3A_94 = vector.broadcast %jit3A_93 : i32 to vector<512x128xi32>
    %select_n3A_95 = arith.select %gt3A_91, %broadcast_in_dim3A_94, %select_n3A_87 : vector<512x128xi1>, vector<512x128xi32>
    %get3A_96 = arith.constant 0 : index
    %get3A_97 = arith.constant 1664 : index
    %get3A_98 = vector.load %arg1[%get3A_96, %get3A_97] : memref<512x4096xf32, #tpu.memory_space<vmem>>, vector<512x128xf32>
    %gt3A_99 = arith.cmpf ogt, %get3A_98, %select_n3A_92 : vector<512x128xf32>
    %select_n3A_100 = arith.select %gt3A_99, %get3A_98, %select_n3A_92 : vector<512x128xi1>, vector<512x128xf32>
    %jit3A_101 = arith.constant 13 : i32
    %broadcast_in_dim3A_102 = vector.broadcast %jit3A_101 : i32 to vector<512x128xi32>
    %select_n3A_103 = arith.select %gt3A_99, %broadcast_in_dim3A_102, %select_n3A_95 : vector<512x128xi1>, vector<512x128xi32>
    %get3A_104 = arith.constant 0 : index
    %get3A_105 = arith.constant 1792 : index
    %get3A_106 = vector.load %arg1[%get3A_104, %get3A_105] : memref<512x4096xf32, #tpu.memory_space<vmem>>, vector<512x128xf32>
    %gt3A_107 = arith.cmpf ogt, %get3A_106, %select_n3A_100 : vector<512x128xf32>
    %select_n3A_108 = arith.select %gt3A_107, %get3A_106, %select_n3A_100 : vector<512x128xi1>, vector<512x128xf32>
    %jit3A_109 = arith.constant 14 : i32
    %broadcast_in_dim3A_110 = vector.broadcast %jit3A_109 : i32 to vector<512x128xi32>
    %select_n3A_111 = arith.select %gt3A_107, %broadcast_in_dim3A_110, %select_n3A_103 : vector<512x128xi1>, vector<512x128xi32>
    %get3A_112 = arith.constant 0 : index
    %get3A_113 = arith.constant 1920 : index
    %get3A_114 = vector.load %arg1[%get3A_112, %get3A_113] : memref<512x4096xf32, #tpu.memory_space<vmem>>, vector<512x128xf32>
    %gt3A_115 = arith.cmpf ogt, %get3A_114, %select_n3A_108 : vector<512x128xf32>
    %select_n3A_116 = arith.select %gt3A_115, %get3A_114, %select_n3A_108 : vector<512x128xi1>, vector<512x128xf32>
    %jit3A_117 = arith.constant 15 : i32
    %broadcast_in_dim3A_118 = vector.broadcast %jit3A_117 : i32 to vector<512x128xi32>
    %select_n3A_119 = arith.select %gt3A_115, %broadcast_in_dim3A_118, %select_n3A_111 : vector<512x128xi1>, vector<512x128xi32>
    %get3A_120 = arith.constant 0 : index
    %get3A_121 = arith.constant 2048 : index
    %get3A_122 = vector.load %arg1[%get3A_120, %get3A_121] : memref<512x4096xf32, #tpu.memory_space<vmem>>, vector<512x128xf32>
    %gt3A_123 = arith.cmpf ogt, %get3A_122, %select_n3A_116 : vector<512x128xf32>
    %select_n3A_124 = arith.select %gt3A_123, %get3A_122, %select_n3A_116 : vector<512x128xi1>, vector<512x128xf32>
    %jit3A_125 = arith.constant 16 : i32
    %broadcast_in_dim3A_126 = vector.broadcast %jit3A_125 : i32 to vector<512x128xi32>
    %select_n3A_127 = arith.select %gt3A_123, %broadcast_in_dim3A_126, %select_n3A_119 : vector<512x128xi1>, vector<512x128xi32>
    %get3A_128 = arith.constant 0 : index
    %get3A_129 = arith.constant 2176 : index
    %get3A_130 = vector.load %arg1[%get3A_128, %get3A_129] : memref<512x4096xf32, #tpu.memory_space<vmem>>, vector<512x128xf32>
    %gt3A_131 = arith.cmpf ogt, %get3A_130, %select_n3A_124 : vector<512x128xf32>
    %select_n3A_132 = arith.select %gt3A_131, %get3A_130, %select_n3A_124 : vector<512x128xi1>, vector<512x128xf32>
    %jit3A_133 = arith.constant 17 : i32
    %broadcast_in_dim3A_134 = vector.broadcast %jit3A_133 : i32 to vector<512x128xi32>
    %select_n3A_135 = arith.select %gt3A_131, %broadcast_in_dim3A_134, %select_n3A_127 : vector<512x128xi1>, vector<512x128xi32>
    %get3A_136 = arith.constant 0 : index
    %get3A_137 = arith.constant 2304 : index
    %get3A_138 = vector.load %arg1[%get3A_136, %get3A_137] : memref<512x4096xf32, #tpu.memory_space<vmem>>, vector<512x128xf32>
    %gt3A_139 = arith.cmpf ogt, %get3A_138, %select_n3A_132 : vector<512x128xf32>
    %select_n3A_140 = arith.select %gt3A_139, %get3A_138, %select_n3A_132 : vector<512x128xi1>, vector<512x128xf32>
    %jit3A_141 = arith.constant 18 : i32
    %broadcast_in_dim3A_142 = vector.broadcast %jit3A_141 : i32 to vector<512x128xi32>
    %select_n3A_143 = arith.select %gt3A_139, %broadcast_in_dim3A_142, %select_n3A_135 : vector<512x128xi1>, vector<512x128xi32>
    %get3A_144 = arith.constant 0 : index
    %get3A_145 = arith.constant 2432 : index
    %get3A_146 = vector.load %arg1[%get3A_144, %get3A_145] : memref<512x4096xf32, #tpu.memory_space<vmem>>, vector<512x128xf32>
    %gt3A_147 = arith.cmpf ogt, %get3A_146, %select_n3A_140 : vector<512x128xf32>
    %select_n3A_148 = arith.select %gt3A_147, %get3A_146, %select_n3A_140 : vector<512x128xi1>, vector<512x128xf32>
    %jit3A_149 = arith.constant 19 : i32
    %broadcast_in_dim3A_150 = vector.broadcast %jit3A_149 : i32 to vector<512x128xi32>
    %select_n3A_151 = arith.select %gt3A_147, %broadcast_in_dim3A_150, %select_n3A_143 : vector<512x128xi1>, vector<512x128xi32>
    %get3A_152 = arith.constant 0 : index
    %get3A_153 = arith.constant 2560 : index
    %get3A_154 = vector.load %arg1[%get3A_152, %get3A_153] : memref<512x4096xf32, #tpu.memory_space<vmem>>, vector<512x128xf32>
    %gt3A_155 = arith.cmpf ogt, %get3A_154, %select_n3A_148 : vector<512x128xf32>
    %select_n3A_156 = arith.select %gt3A_155, %get3A_154, %select_n3A_148 : vector<512x128xi1>, vector<512x128xf32>
    %jit3A_157 = arith.constant 20 : i32
    %broadcast_in_dim3A_158 = vector.broadcast %jit3A_157 : i32 to vector<512x128xi32>
    %select_n3A_159 = arith.select %gt3A_155, %broadcast_in_dim3A_158, %select_n3A_151 : vector<512x128xi1>, vector<512x128xi32>
    %get3A_160 = arith.constant 0 : index
    %get3A_161 = arith.constant 2688 : index
    %get3A_162 = vector.load %arg1[%get3A_160, %get3A_161] : memref<512x4096xf32, #tpu.memory_space<vmem>>, vector<512x128xf32>
    %gt3A_163 = arith.cmpf ogt, %get3A_162, %select_n3A_156 : vector<512x128xf32>
    %select_n3A_164 = arith.select %gt3A_163, %get3A_162, %select_n3A_156 : vector<512x128xi1>, vector<512x128xf32>
    %jit3A_165 = arith.constant 21 : i32
    %broadcast_in_dim3A_166 = vector.broadcast %jit3A_165 : i32 to vector<512x128xi32>
    %select_n3A_167 = arith.select %gt3A_163, %broadcast_in_dim3A_166, %select_n3A_159 : vector<512x128xi1>, vector<512x128xi32>
    %get3A_168 = arith.constant 0 : index
    %get3A_169 = arith.constant 2816 : index
    %get3A_170 = vector.load %arg1[%get3A_168, %get3A_169] : memref<512x4096xf32, #tpu.memory_space<vmem>>, vector<512x128xf32>
    %gt3A_171 = arith.cmpf ogt, %get3A_170, %select_n3A_164 : vector<512x128xf32>
    %select_n3A_172 = arith.select %gt3A_171, %get3A_170, %select_n3A_164 : vector<512x128xi1>, vector<512x128xf32>
    %jit3A_173 = arith.constant 22 : i32
    %broadcast_in_dim3A_174 = vector.broadcast %jit3A_173 : i32 to vector<512x128xi32>
    %select_n3A_175 = arith.select %gt3A_171, %broadcast_in_dim3A_174, %select_n3A_167 : vector<512x128xi1>, vector<512x128xi32>
    %get3A_176 = arith.constant 0 : index
    %get3A_177 = arith.constant 2944 : index
    %get3A_178 = vector.load %arg1[%get3A_176, %get3A_177] : memref<512x4096xf32, #tpu.memory_space<vmem>>, vector<512x128xf32>
    %gt3A_179 = arith.cmpf ogt, %get3A_178, %select_n3A_172 : vector<512x128xf32>
    %select_n3A_180 = arith.select %gt3A_179, %get3A_178, %select_n3A_172 : vector<512x128xi1>, vector<512x128xf32>
    %jit3A_181 = arith.constant 23 : i32
    %broadcast_in_dim3A_182 = vector.broadcast %jit3A_181 : i32 to vector<512x128xi32>
    %select_n3A_183 = arith.select %gt3A_179, %broadcast_in_dim3A_182, %select_n3A_175 : vector<512x128xi1>, vector<512x128xi32>
    %get3A_184 = arith.constant 0 : index
    %get3A_185 = arith.constant 3072 : index
    %get3A_186 = vector.load %arg1[%get3A_184, %get3A_185] : memref<512x4096xf32, #tpu.memory_space<vmem>>, vector<512x128xf32>
    %gt3A_187 = arith.cmpf ogt, %get3A_186, %select_n3A_180 : vector<512x128xf32>
    %select_n3A_188 = arith.select %gt3A_187, %get3A_186, %select_n3A_180 : vector<512x128xi1>, vector<512x128xf32>
    %jit3A_189 = arith.constant 24 : i32
    %broadcast_in_dim3A_190 = vector.broadcast %jit3A_189 : i32 to vector<512x128xi32>
    %select_n3A_191 = arith.select %gt3A_187, %broadcast_in_dim3A_190, %select_n3A_183 : vector<512x128xi1>, vector<512x128xi32>
    %get3A_192 = arith.constant 0 : index
    %get3A_193 = arith.constant 3200 : index
    %get3A_194 = vector.load %arg1[%get3A_192, %get3A_193] : memref<512x4096xf32, #tpu.memory_space<vmem>>, vector<512x128xf32>
    %gt3A_195 = arith.cmpf ogt, %get3A_194, %select_n3A_188 : vector<512x128xf32>
    %select_n3A_196 = arith.select %gt3A_195, %get3A_194, %select_n3A_188 : vector<512x128xi1>, vector<512x128xf32>
    %jit3A_197 = arith.constant 25 : i32
    %broadcast_in_dim3A_198 = vector.broadcast %jit3A_197 : i32 to vector<512x128xi32>
    %select_n3A_199 = arith.select %gt3A_195, %broadcast_in_dim3A_198, %select_n3A_191 : vector<512x128xi1>, vector<512x128xi32>
    %get3A_200 = arith.constant 0 : index
    %get3A_201 = arith.constant 3328 : index
    %get3A_202 = vector.load %arg1[%get3A_200, %get3A_201] : memref<512x4096xf32, #tpu.memory_space<vmem>>, vector<512x128xf32>
    %gt3A_203 = arith.cmpf ogt, %get3A_202, %select_n3A_196 : vector<512x128xf32>
    %select_n3A_204 = arith.select %gt3A_203, %get3A_202, %select_n3A_196 : vector<512x128xi1>, vector<512x128xf32>
    %jit3A_205 = arith.constant 26 : i32
    %broadcast_in_dim3A_206 = vector.broadcast %jit3A_205 : i32 to vector<512x128xi32>
    %select_n3A_207 = arith.select %gt3A_203, %broadcast_in_dim3A_206, %select_n3A_199 : vector<512x128xi1>, vector<512x128xi32>
    %get3A_208 = arith.constant 0 : index
    %get3A_209 = arith.constant 3456 : index
    %get3A_210 = vector.load %arg1[%get3A_208, %get3A_209] : memref<512x4096xf32, #tpu.memory_space<vmem>>, vector<512x128xf32>
    %gt3A_211 = arith.cmpf ogt, %get3A_210, %select_n3A_204 : vector<512x128xf32>
    %select_n3A_212 = arith.select %gt3A_211, %get3A_210, %select_n3A_204 : vector<512x128xi1>, vector<512x128xf32>
    %jit3A_213 = arith.constant 27 : i32
    %broadcast_in_dim3A_214 = vector.broadcast %jit3A_213 : i32 to vector<512x128xi32>
    %select_n3A_215 = arith.select %gt3A_211, %broadcast_in_dim3A_214, %select_n3A_207 : vector<512x128xi1>, vector<512x128xi32>
    %get3A_216 = arith.constant 0 : index
    %get3A_217 = arith.constant 3584 : index
    %get3A_218 = vector.load %arg1[%get3A_216, %get3A_217] : memref<512x4096xf32, #tpu.memory_space<vmem>>, vector<512x128xf32>
    %gt3A_219 = arith.cmpf ogt, %get3A_218, %select_n3A_212 : vector<512x128xf32>
    %select_n3A_220 = arith.select %gt3A_219, %get3A_218, %select_n3A_212 : vector<512x128xi1>, vector<512x128xf32>
    %jit3A_221 = arith.constant 28 : i32
    %broadcast_in_dim3A_222 = vector.broadcast %jit3A_221 : i32 to vector<512x128xi32>
    %select_n3A_223 = arith.select %gt3A_219, %broadcast_in_dim3A_222, %select_n3A_215 : vector<512x128xi1>, vector<512x128xi32>
    %get3A_224 = arith.constant 0 : index
    %get3A_225 = arith.constant 3712 : index
    %get3A_226 = vector.load %arg1[%get3A_224, %get3A_225] : memref<512x4096xf32, #tpu.memory_space<vmem>>, vector<512x128xf32>
    %gt3A_227 = arith.cmpf ogt, %get3A_226, %select_n3A_220 : vector<512x128xf32>
    %select_n3A_228 = arith.select %gt3A_227, %get3A_226, %select_n3A_220 : vector<512x128xi1>, vector<512x128xf32>
    %jit3A_229 = arith.constant 29 : i32
    %broadcast_in_dim3A_230 = vector.broadcast %jit3A_229 : i32 to vector<512x128xi32>
    %select_n3A_231 = arith.select %gt3A_227, %broadcast_in_dim3A_230, %select_n3A_223 : vector<512x128xi1>, vector<512x128xi32>
    %get3A_232 = arith.constant 0 : index
    %get3A_233 = arith.constant 3840 : index
    %get3A_234 = vector.load %arg1[%get3A_232, %get3A_233] : memref<512x4096xf32, #tpu.memory_space<vmem>>, vector<512x128xf32>
    %gt3A_235 = arith.cmpf ogt, %get3A_234, %select_n3A_228 : vector<512x128xf32>
    %select_n3A_236 = arith.select %gt3A_235, %get3A_234, %select_n3A_228 : vector<512x128xi1>, vector<512x128xf32>
    %jit3A_237 = arith.constant 30 : i32
    %broadcast_in_dim3A_238 = vector.broadcast %jit3A_237 : i32 to vector<512x128xi32>
    %select_n3A_239 = arith.select %gt3A_235, %broadcast_in_dim3A_238, %select_n3A_231 : vector<512x128xi1>, vector<512x128xi32>
    %get3A_240 = arith.constant 0 : index
    %get3A_241 = arith.constant 3968 : index
    %get3A_242 = vector.load %arg1[%get3A_240, %get3A_241] : memref<512x4096xf32, #tpu.memory_space<vmem>>, vector<512x128xf32>
    %gt3A_243 = arith.cmpf ogt, %get3A_242, %select_n3A_236 : vector<512x128xf32>
    %select_n3A_244 = arith.select %gt3A_243, %get3A_242, %select_n3A_236 : vector<512x128xi1>, vector<512x128xf32>
    %jit3A_245 = arith.constant 31 : i32
    %broadcast_in_dim3A_246 = vector.broadcast %jit3A_245 : i32 to vector<512x128xi32>
    %select_n3A_247 = arith.select %gt3A_243, %broadcast_in_dim3A_246, %select_n3A_239 : vector<512x128xi1>, vector<512x128xi32>
    %reduce_max3A = arith.constant dense<0xFF800000> : vector<512xf32>
    %reduce_max3A_248 = vector.multi_reduction <maximumf>, %select_n3A_244, %reduce_max3A [1] : vector<512x128xf32> to vector<512xf32>
    %broadcast_in_dim3A_249 = vector.shape_cast %reduce_max3A_248 : vector<512xf32> to vector<512x1xf32>
    %iota3A = tpu.iota {dimensions = array<i32: 1>} : vector<512x128xi32>
    %mul3A = arith.constant 128 : i32
    %mul3A_250 = vector.broadcast %mul3A : i32 to vector<512x128xi32>
    %mul3A_251 = arith.muli %select_n3A_247, %mul3A_250 : vector<512x128xi32>
    %add3A = arith.addi %mul3A_251, %iota3A : vector<512x128xi32>
    %eq3A = vector.broadcast %broadcast_in_dim3A_249 : vector<512x1xf32> to vector<512x128xf32>
    %eq3A_252 = arith.cmpf oeq, %select_n3A_244, %eq3A : vector<512x128xf32>
    %jit3A_253 = arith.constant 4096 : i32
    %broadcast_in_dim3A_254 = vector.broadcast %jit3A_253 : i32 to vector<512x128xi32>
    %select_n3A_255 = arith.select %eq3A_252, %add3A, %broadcast_in_dim3A_254 : vector<512x128xi1>, vector<512x128xi32>
    %reduce_min3A = arith.constant dense<2147483647> : vector<512xi32>
    %reduce_min3A_256 = vector.multi_reduction <minsi>, %select_n3A_255, %reduce_min3A [1] : vector<512x128xi32> to vector<512xi32>
    %reshape3A = vector.shape_cast %reduce_min3A_256 : vector<512xi32> to vector<1x4x128xi32>
    %swap3A = arith.constant 0 : index
    %swap3A_257 = arith.constant 0 : index
    %swap3A_258 = arith.constant 0 : index
    %swap3A_259 = vector.load %arg2[%swap3A, %swap3A_257, %swap3A_258] : memref<1x4x128xi32, #tpu.memory_space<vmem>>, vector<1x4x128xi32>
    tpu.vector_store %arg2[%swap3A, %swap3A_257, %swap3A_258], %reshape3A {strides = array<i32>} : memref<1x4x128xi32, #tpu.memory_space<vmem>>, vector<1x4x128xi32>,
    return
  }
  func.func @transform_0(%arg0: i32) -> (i32, i32) {
    %c0_i32 = arith.constant 0 : i32
    %c0_i32_0 = arith.constant 0 : i32
    return %arg0, %c0_i32 : i32, i32
  }
  func.func @transform_1(%arg0: i32) -> (i32, i32, i32) {
    %c0_i32 = arith.constant 0 : i32
    %c0_i32_0 = arith.constant 0 : i32
    %c0_i32_1 = arith.constant 0 : i32
    return %arg0, %c0_i32, %c0_i32_0 : i32, i32, i32
  }
}

</mosaic_0001>

<sc_bundles>
// kernel: kernel.4.cloned.1.call-start
scs
__scs_entry_jumppad:
0x0: {  	(pc) =	sbr.rel $0x88, $3  }
0x1: {  	(tag) =	ssettag $0x0;
	lr =	simm.s32 $0x1  }
0x2: {  	[smem:$0x3FA0] =	sst lr;
	_ =	strace $0xD0000000  }
0x3: {  	_ = 	snop  }
0x4: {  	_ = 	snop  }
0x5: {  	_ = 	snop  }
0x6: {  	_ = 	snop  }
0x7: {  	_ = 	snop  }
__scs_overlays_trampoline_lowered:
0x8: {  	[smem:$0x3FAF] =	sst s0  }
0x9: {  	[smem:$0x3FB0] =	sst s1  }
0xa: {  	[smem:$0x3FB1] =	sst s2  }
0xb: {  	[smem:$0x3FB2] =	sst s3  }
0xc: {  	[smem:$0x3FB3] =	sst s4  }
0xd: {  	[smem:$0x3FB4] =	sst s5  }
0xe: {  	[smem:$0x3FB5] =	sst s6  }
0xf: {  	[smem:$0x3FB6] =	sst s7  }
0x10: {  	[smem:$0x3FB7] =	sst s8  }
0x11: {  	[smem:$0x3FB8] =	sst s9;
	s0 =	simm.s32 @!p0 $0x0  }
0x12: {  	s1 =	sld [smem:$0x3F9E];
	s0 =	simm.s32 @p0 $0x1  }
0x13: {  	[smem:$0x3FB9] =	sst s0;
	s0 =	simm.s32 @!p1 $0x0  }
0x14: {  	s2 =	sld [smem:$0x3F9D];
	s0 =	simm.s32 @p1 $0x1  }
0x15: {  	[smem:$0x3FBA] =	sst s0;
	s0 =	simm.s32 @!p2 $0x0  }
0x16: {  	s3 =	sld [smem:$0x3FDB];
	s0 =	simm.s32 @p2 $0x1  }
0x17: {  	s4 =	simm.s32 $0x1BF5;
	[smem:$0x3FBC] =	sst s0  }
0x18: {  	s0 =	sld [smem:$0x3F9F];
	_ =	swait.ge [sflag:s4], $0x0  }
0x19: {  	s7 =	sld [smem:$0x3FA0]  }
0x1a: {  	s8 =	sadd.s32 $0xFFFFE003, lr  }
0x1b: {  	s9 =	sadd.s32 $0xFFFFFEF7, lr;
	s5 =	simm.s32 $0xFFFFFFFF;
	p2 =	slt.u32 s8, $0xFFFFF086  }
0x1c: {  	p1 =	slt.u32 s9, $0xF7A;
	s5 =	simm.s32 @!p2 $0x0  }
0x1d: {  	s5 =	simm.s32 @p1 $0x1;
	p0 =	seq.s32 s7, s2  }
0x1e: {  	s7 =	smul.u32 @!p0 $0xF7A, s2;
	p2 =	seq.s32 @!p0 s5, $0x0  }
0x1f: {  	s9 =	smul.u32 $0xF7A, s1;
	s8 =	simm.s32 @!p0 $0x1BF5;
	p2 =	por !p2, p0  }
0x20: {  	[sflag:s8] =	ssyncset.s32 @!p0 $0xFFFFF086;
	s6 =	sadd.s32 @!p0 s3, s7;
	s7 =	simm.s32 @!p0 $0x108  }
0x21: {  	s3 =	sadd.s32 s3, s9;
	s6 =	sadd.s32 @!p0 $0x88, s6;
	s7 =	simm.s32 @p2 $0x1082  }
0x22: {  	[simem:s7], [sflag:s8] =	dma.local @!p0 [hbm:s6], $0xF7A  }
0x23: {  	s9 =	sor.u32 $0xD0000000, s2;
	s6 =	simm.s32 $0x108;
	_ =	swait.ge @!p0 [sflag:s8], $0x0  }
0x24: {  	s3 =	sadd.s32 $0x88, s3;
	s6 =	simm.s32 @!p1 $0x1082;
	[sflag:s4] =	ssyncset.s32 $0xFFFFF086  }
0x25: {  	[simem:s6], [sflag:s4] =	dma.local [hbm:s3], $0xF7A  }
0x26: {  	[smem:$0x3FA0] =	sst s1;
	(tag) =	ssettag s2;
	_ =	strace s9  }
0x27: {  	s1 =	sld [smem:$0x3FB0]  }
0x28: {  	s2 =	sld [smem:$0x3FB1]  }
0x29: {  	s4 =	sld [smem:$0x3FB3]  }
0x2a: {  	p0 =	seq.s32 s5, $0x0;
	s5 =	sld [smem:$0x3FB4]  }
0x2b: {  	s6 =	sld [smem:$0x3FB5]  }
0x2c: {  	s7 =	sld [smem:$0x3FB6]  }
0x2d: {  	s3 =	simm.s32 $0x108;
	s8 =	sld [smem:$0x3FB7]  }
0x2e: {  	s3 =	simm.s32 @!p0 $0x1082;
	s9 =	sld [smem:$0x3FB8]  }
0x2f: {  	lr =	sadd.s32 s0, s3;
	s0 =	sld [smem:$0x3FAF]  }
0x30: {  	s3 =	sld [smem:$0x3FB2]  }
0x31: {  	[smem:$0x3FBB] =	sst s10  }
0x32: {  	s10 =	sld [smem:$0x3FB9];
	_ =	sdelay $0x3  }
0x33: {  	p0 =	seq.s32 s10, $0x1;
	s10 =	sld [smem:$0x3FBB];
	_ =	sdelay $0x3  }
0x34: {  	[smem:$0x3FBB] =	sst s10  }
0x35: {  	s10 =	sld [smem:$0x3FBA];
	_ =	sdelay $0x3  }
0x36: {  	p1 =	seq.s32 s10, $0x1;
	s10 =	sld [smem:$0x3FBB];
	_ =	sdelay $0x3  }
0x37: {  	[smem:$0x3FBB] =	sst s10  }
0x38: {  	s10 =	sld [smem:$0x3FBC]  }
0x39: {  	_ = 	snop;
	(pc) =	sbr.ind lr, $3  }
0x3a: {  	_ = 	snop  }
0x3b: {  	_ = 	snop  }
0x3c: {  	p2 =	seq.s32 s10, $0x1;
	s10 =	sld [smem:$0x3FBB]  }
0x3d: {  	_ =	shalt  }
0x3e: {  	_ =	shalt  }
0x3f: {  	_ =	shalt  }
0x40: {  	_ =	shalt  }
0x41: {  	_ =	shalt  }
0x42: {  	_ =	shalt  }
0x43: {  	_ =	shalt  }
0x44: {  	_ =	shalt  }
0x45: {  	_ =	shalt  }
0x46: {  	_ =	shalt  }
0x47: {  	_ =	shalt  }
0x48: {  	_ =	shalt  }
0x49: {  	_ =	shalt  }
0x4a: {  	_ =	shalt  }
0x4b: {  	_ =	shalt  }
0x4c: {  	_ =	shalt  }
0x4d: {  	_ =	shalt  }
0x4e: {  	_ =	shalt  }
0x4f: {  	_ =	shalt  }
0x50: {  	_ =	shalt  }
0x51: {  	_ =	shalt  }
0x52: {  	_ =	shalt  }
0x53: {  	_ =	shalt  }
0x54: {  	_ =	shalt  }
0x55: {  	_ =	shalt  }
0x56: {  	_ =	shalt  }
0x57: {  	_ =	shalt  }
0x58: {  	_ =	shalt  }
0x59: {  	_ =	shalt  }
0x5a: {  	_ =	shalt  }
0x5b: {  	_ =	shalt  }
0x5c: {  	_ =	shalt  }
0x5d: {  	_ =	shalt  }
0x5e: {  	_ =	shalt  }
0x5f: {  	_ =	shalt  }
0x60: {  	_ =	shalt  }
0x61: {  	_ =	shalt  }
0x62: {  	_ =	shalt  }
0x63: {  	_ =	shalt  }
0x64: {  	_ =	shalt  }
0x65: {  	_ =	shalt  }
0x66: {  	_ =	shalt  }
0x67: {  	_ =	shalt  }
0x68: {  	_ =	shalt  }
0x69: {  	_ =	shalt  }
0x6a: {  	_ =	shalt  }
0x6b: {  	_ =	shalt  }
0x6c: {  	_ =	shalt  }
0x6d: {  	_ =	shalt  }
0x6e: {  	_ =	shalt  }
0x6f: {  	_ =	shalt  }
0x70: {  	_ =	shalt  }
0x71: {  	_ =	shalt  }
0x72: {  	_ =	shalt  }
0x73: {  	_ =	shalt  }
0x74: {  	_ =	shalt  }
0x75: {  	_ =	shalt  }
0x76: {  	_ =	shalt  }
0x77: {  	_ =	shalt  }
0x78: {  	_ =	shalt  }
0x79: {  	_ =	shalt  }
0x7a: {  	_ =	shalt  }
0x7b: {  	_ =	shalt  }
0x7c: {  	_ =	shalt  }
0x7d: {  	_ =	shalt  }
0x7e: {  	_ =	shalt  }
0x7f: {  	_ =	shalt  }
0x80: {  	_ =	shalt  }
0x81: {  	_ =	shalt  }
0x82: {  	_ =	shalt  }
0x83: {  	_ =	shalt  }
0x84: {  	_ =	shalt  }
0x85: {  	_ =	shalt  }
0x86: {  	_ =	shalt  }
0x87: {  	_ =	shalt  }
.Lfunc_end0:
.L_simem_size_0:
called_computation_lowered:
.L_overlay_start_0:
0x88: {  	s0 =	sld [smem:$0x3FD9]  }
0x89: {  	s1 =	sld [smem:$0x3FFE];
	_ =	sdelay $0x3  }
0x8a: {  	s0 =	sadd.s32 s1, s0  }
0x8b: {  	[smem:$0x3FC7] =	sst s0  }
0x8c: {  	_ = 	snop  }
0x8d: {  	s0 =	sld [smem:$0x3FD0];
	(tm) =	ssettm $0x1  }
0x8e: {  	s16 =	sld [smem:$0x3FFB];
	_ =	sdelay $0x3  }
0x8f: {  	_ =	strace s16  }
0x90: {  	s1 =	sld [smem:$0x3FFC];
	_ =	sdelay $0x3  }
0x91: {  	_ =	strace s1  }
0x92: {  	s1 =	sld [smem:$0x3FFD];
	_ =	sdelay $0x3  }
0x93: {  	_ =	strace s1  }
0x94: {  	_ =	strace $0x8FFFFFFF  }
0x95: {  	s17 =	sld [smem:$0x3FDB];
	_ =	sdelay $0x1  }
0x96: {  	s2 =	simm.s32 $_scs_section_size  }
0x97: {  	s3 =	simm.s32 $_size__tile_overlayer_lowered;
	s4 =	simm.s32 $_tile_overlayer_lowered  }
0x98: {  	s20 =	simm.s32 $0x1BFF;
	s19 =	sshll.u32 s4, $0x1;
	s1 =	sadd.s32 s2, s17  }
0x99: {  	s5 =	simm.s32 $0x0;
	s18 =	sshll.u32 s3, $0x1;
	s3 =	sadd.s32 s19, s1  }
0x9a: {  	[timem:s5], [sflag:s20] =	dma.local [hbm:s3], s18  }
0x9b: {  	_ =	swait.ge [sflag:s20], s18  }
0x9c: {  	s2 =	ssub.s32 $0x0, s18;
	[sflag:s20] =	ssyncset.done $0x0  }
0x9d: {  	[sflag:s20] =	ssyncadd.s32 s2;
	_ =	sdelay $0x1  }
0x9e: {  	s21 =	simm.s32 $0x1B8B  }
0x9f: {  	_ =	swait.ge [sflag:s21], $0x1  }
0xa0: {  	[sflag:s21] =	ssyncset.done $0x0  }
0xa1: {  	s23 =	simm.s32 $0x1B8E;
	s22 =	sld [smem:$0x3FFE];
	[sflag:s21] =	ssyncadd.s32 $0xFFFFFFFF  }
0xa2: {  	s24 =	simm.s32 $execute0_lowered;
	[smem:$0x3FD2] =	sst s23  }
0xa3: {  	s3 =	sshll.u32 s24, $0x1;
	_ =	strace $0x80000046;
	[dreg:$0x1] =	wrdreg $0xFFFFFFFF  }
0xa4: {  	s25 =	simm.s32 $_size_execute0_lowered;
	s1 =	sadd.s32 s1, s3;
	[dreg:$0x0] =	wrdreg $0x0  }
0xa5: {  	s3 =	sshll.u32 s25, $0x1;
	[dreg:$0x2] =	wrdreg s1  }
0xa6: {  	[dreg:$0x3] =	wrdreg s3  }
0xa7: {  	[dreg:$0x4] =	wrdreg $0xC0  }
0xa8: {  	_ =	task [dreg:s5], $0x5FFFF  }
0xa9: {  	[dreg:$0x1] =	wrdreg $0xFFFFFFFF  }
0xaa: {  	[dreg:$0x0] =	wrdreg $0x60  }
0xab: {  	[dreg:$0x2] =	wrdreg s22  }
0xac: {  	[dreg:$0x3] =	wrdreg s0  }
0xad: {  	[dreg:$0x4] =	wrdreg $0x3800  }
0xae: {  	[dreg:$0x5] =	wrdreg $0x9  }
0xaf: {  	_ =	task.clear_ibuf [dreg:s5], $0x6FFFF;
	_ =	strace $0x90000046  }
0xb0: {  	s26 =	simm.s32 $0x9;
	_ =	strace $0x80000048  }
0xb1: {  	_ =	swait.ge [sflag:s26], $0x1  }
0xb2: {  	[sflag:s26] =	ssyncadd.s32 $0xFFFFFFFF  }
0xb3: {  	_ =	strace $0x90000048  }
0xb4: {  	_ =	sfence  }
0xb5: {  	s28 =	sld [smem:$0x0];
	_ =	sdelay $0x1  }
0xb6: {  	s29 =	srdreg.scid  }
0xb7: {  	s30 =	sshll.u32 s29, $0xD;
	s31 =	sshrl.u32 s29, $0x2  }
0xb8: {  	s2 =	sand.u32 $0x4000, s30;
	s1 =	sand.u32 $0x1, s29;
	s0 =	sadd.s32 s31, s28  }
0xb9: {  	s1 =	sor.u32 s2, s1;
	s0 =	sshll.u32 s0, $0x11  }
0xba: {  	s0 =	sor.u32 s0, s1  }
0xbb: {  	s0 =	sadd.s32 $0x8F2B, s0  }
0xbc: {  	[sflag:s0] =	ssyncadd.remote.s32 $0x1  }
0xbd: {  	_ =	sfence.sel $0xFFFF  }
0xbe: {  	[dreg:$0x0] =	wrdreg $0xFFFFFFFF;
	(pc) =	sbr.abs _section_cstart, $3  }
0xbf: {  	[dreg:$0x1] =	wrdreg $0xFFFFFFFF  }
0xc0: {  	_ =	task.clear_ibuf [dreg:s5], $0x2FFFF;
	_ =	strace $0x9FFFFFFF  }
0xc1: {  	(tm) =	ssettm $0x7FFFFFFF  }
tec
execute0_lowered:
.L_overlay_start_1:
0x0: {  	(tag) =	ssettag $0x1  }
0x1: {  	s6 =	rddreg [dreg:$0x0]  }
0x2: {  	s2 =	rddreg [dreg:$0x1];
	s1 =	stileid.u32  }
0x3: {  	s4 =	rddreg [dreg:$0x2];
	s5 =	simm.s32 $0x0;
	s3 =	sshll.u32 s1, $0x6  }
0x4: {  	[smem:$0x7FF] =	sst s5;
	s6 =	sadd.s32 s3, s6  }
0x5: {  	s0 =	rddreg [dreg:$0x3];
	_ =	strace $0x80000047;
	s7 =	sadd.s32 $0x600, s6  }
0x6: {  	[tilespmem:s5], [sflag:$0x1] =	stream.linear.gather [hbm4b:s7+s5], $0x80, $0x38;
	[tilespmem:$0x480] =	vst v63  }
0x7: {  	s8 =	simm.s32 $0x80;
	s24 =	sadd.s32 $0x610, s6  }
0x8: {  	[tilespmem:s8], [sflag:$0x1] =	stream.linear.gather [hbm4b:s24+s5], $0x80, $0x38;
	[tilespmem:$0x480] =	vst v63  }
0x9: {  	s9 =	simm.s32 $0x100;
	s25 =	sadd.s32 $0x620, s6  }
0xa: {  	[tilespmem:s9], [sflag:$0x1] =	stream.linear.gather [hbm4b:s25+s5], $0x80, $0x38;
	[tilespmem:$0x480] =	vst v63  }
0xb: {  	s26 =	simm.s32 $0x180;
	s6 =	sadd.s32 $0x630, s6  }
0xc: {  	v0 =	vimm.s32 $0x1;
	[tilespmem:s26], [sflag:$0x1] =	stream.linear.gather [hbm4b:s6+s5], $0x80, $0x38;
	[tilespmem:$0x480] =	vst v63  }
0xd: {  	[tilespmem:$0x200] =	vst v0  }
0xe: {  	[tilespmem:$0x210] =	vst v0  }
0xf: {  	[tilespmem:$0x220] =	vst v0  }
0x10: {  	[tilespmem:$0x230] =	vst v0  }
0x11: {  	[tilespmem:$0x240] =	vst v0  }
0x12: {  	[tilespmem:$0x250] =	vst v0  }
0x13: {  	[tilespmem:$0x260] =	vst v0  }
0x14: {  	v63 =	vimm.s32 $0x0;
	[tilespmem:$0x270] =	vst v0  }
0x15: {  	[tilespmem:$0x280] =	vst v63  }
0x16: {  	[tilespmem:$0x290] =	vst v63  }
0x17: {  	[tilespmem:$0x2A0] =	vst v63  }
0x18: {  	[tilespmem:$0x2B0] =	vst v63  }
0x19: {  	[tilespmem:$0x2C0] =	vst v63  }
0x1a: {  	[tilespmem:$0x2D0] =	vst v63  }
0x1b: {  	[tilespmem:$0x2E0] =	vst v63  }
0x1c: {  	[tilespmem:$0x2F0] =	vst v63  }
0x1d: {  	[tilespmem:$0x300] =	vst v63  }
0x1e: {  	[tilespmem:$0x310] =	vst v63  }
0x1f: {  	[tilespmem:$0x320] =	vst v63  }
0x20: {  	[tilespmem:$0x330] =	vst v63  }
0x21: {  	[tilespmem:$0x340] =	vst v63  }
0x22: {  	[tilespmem:$0x350] =	vst v63  }
0x23: {  	s28 =	sshll.u32 s1, $0x8;
	[tilespmem:$0x360] =	vst v63  }
0x24: {  	s10 =	simm.s32 $0x280;
	s29 =	simm.s32 $0x2;
	s6 =	sadd.s32 s28, s4;
	[tilespmem:$0x370] =	vst v63  }
0x25: {  	[spmem:s6] =	stream.linear.scatter [tilespmem:s10], [sflag:$0x2], $0x100, $0x38;
	[tilespmem:$0x480] =	vst v63  }
0x26: {  	_ =	swait.ge [sflag:s29], $0x100  }
0x27: {  	[sflag:s29] =	ssyncset.done $0x0  }
0x28: {  	s11 =	simm.s32 $0x1;
	[sflag:s29] =	ssyncadd.s32 $0xFFFFFF00  }
0x29: {  	_ =	swait.ge [sflag:s11], $0x80  }
0x2a: {  	[sflag:s11] =	ssyncset.done $0x0  }
0x2b: {  	[sflag:s11] =	ssyncadd.s32 $0xFFFFFF80  }
0x2c: {  	_ =	swait.ge [sflag:s11], $0x80  }
0x2d: {  	[sflag:s11] =	ssyncset.done $0x0  }
0x2e: {  	[sflag:s11] =	ssyncadd.s32 $0xFFFFFF80  }
0x2f: {  	_ =	swait.ge [sflag:s11], $0x80  }
0x30: {  	[sflag:s11] =	ssyncset.done $0x0  }
0x31: {  	[sflag:s11] =	ssyncadd.s32 $0xFFFFFF80  }
0x32: {  	_ =	swait.ge [sflag:s11], $0x80  }
0x33: {  	[sflag:s11] =	ssyncset.done $0x0  }
0x34: {  	[sflag:s11] =	ssyncadd.s32 $0xFFFFFF80  }
0x35: {  	s12 =	simm.s32 $0x200;
	[bflag:$0x0] =	sbarrier.arrive $0xFFFF  }
0x36: {  	[spmem:s4] =	stream.indirect.scatter.add.s32 [tilespmem:s12], [sflag:$0x1], $0x1, s5, s8, $0xb8;
	[tilespmem:$0x480] =	vst v63  }
0x37: {  	_ = 	snop  }
0x38: {  	[spmem:s4] =	stream.indirect.scatter.add.s32 [tilespmem:s12], [sflag:$0x1], $0x1, s8, s8, $0xb8;
	[tilespmem:$0x480] =	vst v63  }
0x39: {  	_ = 	snop  }
0x3a: {  	[spmem:s4] =	stream.indirect.scatter.add.s32 [tilespmem:s12], [sflag:$0x1], $0x1, s9, s8, $0xb8;
	[tilespmem:$0x480] =	vst v63  }
0x3b: {  	_ = 	snop  }
0x3c: {  	[spmem:s4] =	stream.indirect.scatter.add.s32 [tilespmem:s12], [sflag:$0x1], $0x1, s26, s8, $0xb8;
	[tilespmem:$0x480] =	vst v63  }
0x3d: {  	_ =	swait.ge [sflag:s11], $0x80  }
0x3e: {  	[sflag:s11] =	ssyncset.done $0x0  }
0x3f: {  	[sflag:s11] =	ssyncadd.s32 $0xFFFFFF80  }
0x40: {  	_ =	swait.ge [sflag:s11], $0x80  }
0x41: {  	[sflag:s11] =	ssyncset.done $0x0  }
0x42: {  	[sflag:s11] =	ssyncadd.s32 $0xFFFFFF80  }
0x43: {  	_ =	swait.ge [sflag:s11], $0x80  }
0x44: {  	[sflag:s11] =	ssyncset.done $0x0  }
0x45: {  	[sflag:s11] =	ssyncadd.s32 $0xFFFFFF80  }
0x46: {  	_ =	swait.ge [sflag:s11], $0x80  }
0x47: {  	s30 =	sshll.u32 s1, $0x5;
	[sflag:s11] =	ssyncset.done $0x0  }
0x48: {  	s2 =	sadd.s32 s2, s30;
	[sflag:s11] =	ssyncadd.s32 $0xFFFFFF80  }
0x49: {  	s3 =	sor.u32 $0x1C02, s3;
	s31 =	sshrl.u32 s6, $0x3;
	[bflag:$0x0] =	sbarrier.arrive $0xFFFF  }
0x4a: {  	[hbm:s2], [sflag:s3] =	dma.local [spmem:s31], $0x20  }
0x4b: {  	_ =	swait.ge [sflag:s29], $0x20  }
0x4c: {  	[sflag:s29] =	ssyncset.done $0x0  }
0x4d: {  	[sflag:s29] =	ssyncadd.s32 $0xFFFFFFE0  }
0x4e: {  	_ =	sfence.sel $0x180000  }
0x4f: {  	[bflag:$0x0] =	sbarrier.arrive $0xFFFF  }
0x50: {  	p0 =	sne.s32 s1, $0x0;
	_ =	strace $0x90000047  }
0x51: {  	s0 =	sadd.s32 @!p0 $0x100000, s0;
	[bflag:$0x2] =	sbarrier.arrive $0xFFFF  }
0x52: {  	[sflag:s0] =	ssyncadd.tile.s32 @!p0 $0x1;
	_ =	shalt  }
.Lfunc_end2:
_tile_overlayer_lowered:
.L_overlay_start_2:
0x53: {  	(tag) =	ssettag $0x2  }
0x54: {  	s0 =	rddreg [dreg:$0x0];
	s2 =	stileid.u32  }
0x55: {  	s1 =	rddreg [dreg:$0x1];
	p0 =	sne.s32 s2, $0x0  }
0x56: {  	s3 =	rddreg [dreg:$0x2];
	[bflag:$0x3] =	sbarrier.arrive $0xFFFF;
	s2 =	simm.s32 @!p0 $0x1C02  }
0x57: {  	[timem:s3], [sflag:s2] =	dma.local @!p0 [hbm:s0], s1  }
0x58: {  	s0 =	simm.s32 @!p0 $0x2  }
0x59: {  	_ =	swait.ge @!p0 [sflag:s0], s1  }
0x5a: {  	s1 =	ssub.s32 @!p0 $0x0, s1;
	[sflag:s0] =	ssyncset.done @!p0 $0x0  }
0x5b: {  	[sflag:s0] =	ssyncadd.s32 @!p0 s1  }
0x5c: {  	[bflag:$0x3] =	sbarrier.arrive $0xFFFF  }
0x5d: {  	_ =	shalt  }

</sc_bundles>
